<compile_context>
chip_gen: v7x
topology: tpu7x:2x2x1
jax: 0.10.2.dev20260603
libtpu: 0.0.44.dev20260713+nightly
codegen_flags: <defaults>
</compile_context>

<pallas_src>
import functools

import jax
import jax.numpy as jnp
from jax import lax
from jax.experimental import pallas as pl
from jax.experimental.pallas import tpu as pltpu
from jax.experimental.pallas import tpu_sc as plsc

N_LUTS = 1024
LUT_DIM = 33
T = 1024
P = 3 * LUT_DIM * LUT_DIM
PB = 33
L = 16


def _build_w_sc(t, nlc, zeros):
    mesh = plsc.VectorSubcoreMesh(core_axis_name="c", subcore_axis_name="s")

    @functools.partial(
        pl.kernel,
        mesh=mesh,
        out_type=jax.ShapeDtypeStruct((N_LUTS,), jnp.float32),
        compiler_params=pltpu.CompilerParams(needs_layout_passes=False),
        scratch_types=[
            pltpu.VMEM((L * N_LUTS,), jnp.float32),
            pltpu.VMEM((T,), jnp.int32),
            pltpu.VMEM((T,), jnp.float32),
            pltpu.VMEM((N_LUTS,), jnp.float32),
            pltpu.SemaphoreType.DMA,
            pltpu.SemaphoreType.DMA,
            pltpu.SemaphoreType.DMA,
        ],
    )
    def k(t_hbm, nlc_hbm, z_hbm, w_hbm, hist_v, t_v, nlc_v, w_v,
          sem0, sem1, sem2):
        wid = lax.axis_index("s") * 2 + lax.axis_index("c")

        @pl.when(wid == 0)
        def _():
            cz = pltpu.make_async_copy(z_hbm, hist_v, sem0)
            ct = pltpu.make_async_copy(t_hbm, t_v, sem1)
            cn = pltpu.make_async_copy(nlc_hbm, nlc_v, sem2)
            cz.start()
            ct.start()
            cn.start()
            cz.wait()
            ct.wait()
            cn.wait()
            lanes = lax.iota(jnp.int32, L)

            def scat_body(j, carry):
                for u in range(2):
                    idx = t_v[pl.ds((2 * j + u) * L, L)]
                    val = nlc_v[pl.ds((2 * j + u) * L, L)]
                    plsc.addupdate_scatter(hist_v, [lanes * N_LUTS + idx], val)
                return carry

            lax.fori_loop(0, T // L // 2, scat_body, 0)

            def red_body(j, carry):
                for u in range(2):
                    jj = 2 * j + u
                    acc = hist_v[pl.ds(jj * L, L)]
                    for r in range(1, L):
                        acc = acc + hist_v[pl.ds(r * N_LUTS + jj * L, L)]
                    w_v[pl.ds(jj * L, L)] = acc
                return carry

            lax.fori_loop(0, N_LUTS // L // 2, red_body, 0)
            pltpu.sync_copy(w_v, w_hbm)

    return k(t, nlc, zeros)


def _matvec_body(w_ref, blk0_ref, blk1_ref, blk2_ref, out_ref):
    out_ref[0] = jnp.sum(blk0_ref[...] * w_ref[...], axis=-1)
    out_ref[1] = jnp.sum(blk1_ref[...] * w_ref[...], axis=-1)
    out_ref[2] = jnp.sum(blk2_ref[...] * w_ref[...], axis=-1)


def kernel(t, nlc, lut):
    zeros = jnp.zeros((L * N_LUTS,), jnp.float32)
    w = _build_w_sc(t.astype(jnp.int32), nlc, zeros)
    lut3 = jnp.transpose(lut, (1, 2, 3, 4, 0)).reshape(P, LUT_DIM, N_LUTS)
    out2 = pl.pallas_call(
        _matvec_body,
        grid=(P // PB // 3,),
        in_specs=[
            pl.BlockSpec((N_LUTS,), lambda i: (0,)),
            pl.BlockSpec((PB, LUT_DIM, N_LUTS), lambda i: (3 * i, 0, 0)),
            pl.BlockSpec((PB, LUT_DIM, N_LUTS), lambda i: (3 * i + 1, 0, 0)),
            pl.BlockSpec((PB, LUT_DIM, N_LUTS), lambda i: (3 * i + 2, 0, 0)),
        ],
        out_specs=pl.BlockSpec((3, PB, LUT_DIM), lambda i: (i, 0, 0)),
        out_shape=jax.ShapeDtypeStruct((P // PB, PB, LUT_DIM), jnp.float32),
    )(w, lut3, lut3, lut3)
    return out2.reshape(3, LUT_DIM, LUT_DIM, LUT_DIM)

# --- scband reference (transcript-rebuilt; emitter-appended) ---
"""Pipeline reference for scband-clut-5239860101662 (READ-ONLY COPY).

The authoritative reference and input builder live on the scoring server;
editing this copy changes nothing except your own understanding.
"""

import jax, jax.numpy as jnp
import numpy as np

N_LUTS = 1024   # number of basis 3D LUTs in the bank (embedding table rows)
LUT_DIM = 33    # standard 33^3 color LUT resolution
T = 1024        # number of gathered LUTs blended per call


def setup_inputs(seed: int = 0) -> dict:
    key = jax.random.key(seed)
    k1, k2, k3 = jax.random.split(key, 3)
    # Learned parameter: bank of basis LUTs, shape [N, 3, D, D, D]
    lut = jax.random.normal(k1, (N_LUTS, 3, LUT_DIM, LUT_DIM, LUT_DIM), dtype=jnp.float32)
    # Forward args
    t = jax.random.randint(k2, (T,), 0, N_LUTS)
    nlc = jax.random.uniform(k3, (T,), dtype=jnp.float32)
    return {"t": t, "nlc": nlc, "lut": lut}


def reference(t, nlc, lut):
    # luts = self.lut[t].permute((1, 2, 3, 4, 0))
    luts = jnp.transpose(lut[t], (1, 2, 3, 4, 0))  # [3, D, D, D, T]
    # clut = (nlc * luts).sum(dim=4)
    clut = jnp.sum(nlc * luts, axis=4)  # [3, D, D, D]
    return clut

if __name__ == "__main__":
    import jax
    _d = setup_inputs()
    print(jax.jit(kernel)(*tuple(_d.values())))

</pallas_src>

<mosaic_0001>
#map = affine_map<(d0, d1) -> (0)>
module attributes {stable_mosaic.version = 14 : i64} {
  func.func @k(%arg0: i32, %arg1: i32, %arg2: memref<1024xi32, #tpu.memory_space<hbm>>, %arg3: memref<1024xf32, #tpu.memory_space<hbm>>, %arg4: memref<16384xf32, #tpu.memory_space<hbm>>, %arg5: memref<1024xf32, #tpu.memory_space<hbm>>, %arg6: memref<16384xf32, #tpu.memory_space<vmem>>, %arg7: memref<1024xi32, #tpu.memory_space<vmem>>, %arg8: memref<1024xf32, #tpu.memory_space<vmem>>, %arg9: memref<1024xf32, #tpu.memory_space<vmem>>, %arg10: memref<!tpu.dma_semaphore, #tpu.memory_space<semaphore_mem>>, %arg11: memref<!tpu.dma_semaphore, #tpu.memory_space<semaphore_mem>>, %arg12: memref<!tpu.dma_semaphore, #tpu.memory_space<semaphore_mem>>) attributes {dimension_semantics = [#tpu.dimension_semantics<core_parallel>, #tpu.dimension_semantics<subcore_parallel>], iteration_bounds = array<i64: 2, 16>, scalar_prefetch = 0 : i64, scratch_operands = 7 : i64, tpu.core_type = #tpu.core_type<sc_vector_subcore>, window_params = [{transform_indices = #map}, {transform_indices = #map}, {transform_indices = #map}, {transform_indices = #map}]} {
    %mul3A = arith.constant 2 : i32
    %mul3A_0 = arith.muli %arg1, %mul3A : i32
    %add3A = arith.addi %mul3A_0, %arg0 : i32
    %eq3A = arith.constant 0 : i32
    %eq3A_1 = arith.cmpi eq, %add3A, %eq3A : i32
    %convert_element_type3A = arith.extui %eq3A_1 : i1 to i32
    %cond3A = arith.constant 0 : i32
    %cond3A_2 = arith.cmpi ne, %convert_element_type3A, %cond3A : i32
    scf.if %cond3A_2 {
      tpu.enqueue_dma source(%arg4 : memref<16384xf32, #tpu.memory_space<hbm>>) target(%arg6 : memref<16384xf32, #tpu.memory_space<vmem>>) target_semaphore(%arg10 : memref<!tpu.dma_semaphore, #tpu.memory_space<semaphore_mem>>)
      tpu.enqueue_dma source(%arg2 : memref<1024xi32, #tpu.memory_space<hbm>>) target(%arg7 : memref<1024xi32, #tpu.memory_space<vmem>>) target_semaphore(%arg11 : memref<!tpu.dma_semaphore, #tpu.memory_space<semaphore_mem>>)
      tpu.enqueue_dma source(%arg3 : memref<1024xf32, #tpu.memory_space<hbm>>) target(%arg8 : memref<1024xf32, #tpu.memory_space<vmem>>) target_semaphore(%arg12 : memref<!tpu.dma_semaphore, #tpu.memory_space<semaphore_mem>>)
      tpu.wait_dma2 semaphore(%arg10 : memref<!tpu.dma_semaphore, #tpu.memory_space<semaphore_mem>>) src(%arg4 : memref<16384xf32, #tpu.memory_space<hbm>>) dst(%arg6 : memref<16384xf32, #tpu.memory_space<vmem>>)
      tpu.wait_dma2 semaphore(%arg11 : memref<!tpu.dma_semaphore, #tpu.memory_space<semaphore_mem>>) src(%arg2 : memref<1024xi32, #tpu.memory_space<hbm>>) dst(%arg7 : memref<1024xi32, #tpu.memory_space<vmem>>)
      tpu.wait_dma2 semaphore(%arg12 : memref<!tpu.dma_semaphore, #tpu.memory_space<semaphore_mem>>) src(%arg3 : memref<1024xf32, #tpu.memory_space<hbm>>) dst(%arg8 : memref<1024xf32, #tpu.memory_space<vmem>>)
      %iota3A = tpu.iota {dimensions = array<i32: 0>} : vector<16xi32>
      %scan3A = arith.constant 0 : i32
      %scan3A_3 = arith.constant 0 : i32
      %scan3A_4 = arith.constant 32 : i32
      %scan3A_5 = arith.addi %scan3A_3, %scan3A_4 : i32
      %scan3A_6 = arith.constant 1 : i32
      scf.for %scan3A_14 = %scan3A_3 to %scan3A_5 step %scan3A_6  : i32 {
        %mul3A_15 = arith.constant 2 : i32
        %mul3A_16 = arith.muli %mul3A_15, %scan3A_14 : i32
        %add3A_17 = arith.constant 0 : i32
        %add3A_18 = arith.addi %mul3A_16, %add3A_17 : i32
        %mul3A_19 = arith.constant 16 : i32
        %mul3A_20 = arith.muli %add3A_18, %mul3A_19 : i32
        %get3A = arith.index_cast %mul3A_20 : i32 to index
        %get3A_21 = tpu.vector_load %arg7[%get3A] {strides = array<i32>} : memref<1024xi32, #tpu.memory_space<vmem>>, vector<16xi32>,
        %mul3A_22 = arith.constant 2 : i32
        %mul3A_23 = arith.muli %mul3A_22, %scan3A_14 : i32
        %add3A_24 = arith.constant 0 : i32
        %add3A_25 = arith.addi %mul3A_23, %add3A_24 : i32
        %mul3A_26 = arith.constant 16 : i32
        %mul3A_27 = arith.muli %add3A_25, %mul3A_26 : i32
        %get3A_28 = arith.index_cast %mul3A_27 : i32 to index
        %get3A_29 = tpu.vector_load %arg8[%get3A_28] {strides = array<i32>} : memref<1024xf32, #tpu.memory_space<vmem>>, vector<16xf32>,
        %mul3A_30 = arith.constant 1024 : i32
        %mul3A_31 = vector.broadcast %mul3A_30 : i32 to vector<16xi32>
        %mul3A_32 = arith.muli %iota3A, %mul3A_31 : vector<16xi32>
        %add3A_33 = arith.addi %mul3A_32, %get3A_21 : vector<16xi32>
        tpu.vector_store_idx %arg6[%add3A_33], %get3A_29 {add = true} : memref<16384xf32, #tpu.memory_space<vmem>>[vector<16xi32>], vector<16xf32>,
        %mul3A_34 = arith.constant 2 : i32
        %mul3A_35 = arith.muli %mul3A_34, %scan3A_14 : i32
        %add3A_36 = arith.constant 1 : i32
        %add3A_37 = arith.addi %mul3A_35, %add3A_36 : i32
        %mul3A_38 = arith.constant 16 : i32
        %mul3A_39 = arith.muli %add3A_37, %mul3A_38 : i32
        %get3A_40 = arith.index_cast %mul3A_39 : i32 to index
        %get3A_41 = tpu.vector_load %arg7[%get3A_40] {strides = array<i32>} : memref<1024xi32, #tpu.memory_space<vmem>>, vector<16xi32>,
        %mul3A_42 = arith.constant 2 : i32
        %mul3A_43 = arith.muli %mul3A_42, %scan3A_14 : i32
        %add3A_44 = arith.constant 1 : i32
        %add3A_45 = arith.addi %mul3A_43, %add3A_44 : i32
        %mul3A_46 = arith.constant 16 : i32
        %mul3A_47 = arith.muli %add3A_45, %mul3A_46 : i32
        %get3A_48 = arith.index_cast %mul3A_47 : i32 to index
        %get3A_49 = tpu.vector_load %arg8[%get3A_48] {strides = array<i32>} : memref<1024xf32, #tpu.memory_space<vmem>>, vector<16xf32>,
        %mul3A_50 = arith.constant 1024 : i32
        %mul3A_51 = vector.broadcast %mul3A_50 : i32 to vector<16xi32>
        %mul3A_52 = arith.muli %iota3A, %mul3A_51 : vector<16xi32>
        %add3A_53 = arith.addi %mul3A_52, %get3A_41 : vector<16xi32>
        tpu.vector_store_idx %arg6[%add3A_53], %get3A_49 {add = true} : memref<16384xf32, #tpu.memory_space<vmem>>[vector<16xi32>], vector<16xf32>,
      }
      %scan3A_7 = arith.constant 32 : i32
      %scan3A_8 = arith.constant 0 : i32
      %scan3A_9 = arith.constant 0 : i32
      %scan3A_10 = arith.constant 32 : i32
      %scan3A_11 = arith.addi %scan3A_9, %scan3A_10 : i32
      %scan3A_12 = arith.constant 1 : i32
      scf.for %scan3A_14 = %scan3A_9 to %scan3A_11 step %scan3A_12  : i32 {
        %mul3A_15 = arith.constant 2 : i32
        %mul3A_16 = arith.muli %mul3A_15, %scan3A_14 : i32
        %add3A_17 = arith.constant 0 : i32
        %add3A_18 = arith.addi %mul3A_16, %add3A_17 : i32
        %mul3A_19 = arith.constant 16 : i32
        %mul3A_20 = arith.muli %add3A_18, %mul3A_19 : i32
        %get3A = arith.index_cast %mul3A_20 : i32 to index
        %get3A_21 = tpu.vector_load %arg6[%get3A] {strides = array<i32>} : memref<16384xf32, #tpu.memory_space<vmem>>, vector<16xf32>,
        %mul3A_22 = arith.constant 16 : i32
        %mul3A_23 = arith.muli %add3A_18, %mul3A_22 : i32
        %add3A_24 = arith.constant 1024 : i32
        %add3A_25 = arith.addi %add3A_24, %mul3A_23 : i32
        %get3A_26 = arith.index_cast %add3A_25 : i32 to index
        %get3A_27 = tpu.vector_load %arg6[%get3A_26] {strides = array<i32>} : memref<16384xf32, #tpu.memory_space<vmem>>, vector<16xf32>,
        %add3A_28 = arith.addf %get3A_21, %get3A_27 : vector<16xf32>
        %mul3A_29 = arith.constant 16 : i32
        %mul3A_30 = arith.muli %add3A_18, %mul3A_29 : i32
        %add3A_31 = arith.constant 2048 : i32
        %add3A_32 = arith.addi %add3A_31, %mul3A_30 : i32
        %get3A_33 = arith.index_cast %add3A_32 : i32 to index
        %get3A_34 = tpu.vector_load %arg6[%get3A_33] {strides = array<i32>} : memref<16384xf32, #tpu.memory_space<vmem>>, vector<16xf32>,
        %add3A_35 = arith.addf %add3A_28, %get3A_34 : vector<16xf32>
        %mul3A_36 = arith.constant 16 : i32
        %mul3A_37 = arith.muli %add3A_18, %mul3A_36 : i32
        %add3A_38 = arith.constant 3072 : i32
        %add3A_39 = arith.addi %add3A_38, %mul3A_37 : i32
        %get3A_40 = arith.index_cast %add3A_39 : i32 to index
        %get3A_41 = tpu.vector_load %arg6[%get3A_40] {strides = array<i32>} : memref<16384xf32, #tpu.memory_space<vmem>>, vector<16xf32>,
        %add3A_42 = arith.addf %add3A_35, %get3A_41 : vector<16xf32>
        %mul3A_43 = arith.constant 16 : i32
        %mul3A_44 = arith.muli %add3A_18, %mul3A_43 : i32
        %add3A_45 = arith.constant 4096 : i32
        %add3A_46 = arith.addi %add3A_45, %mul3A_44 : i32
        %get3A_47 = arith.index_cast %add3A_46 : i32 to index
        %get3A_48 = tpu.vector_load %arg6[%get3A_47] {strides = array<i32>} : memref<16384xf32, #tpu.memory_space<vmem>>, vector<16xf32>,
        %add3A_49 = arith.addf %add3A_42, %get3A_48 : vector<16xf32>
        %mul3A_50 = arith.constant 16 : i32
        %mul3A_51 = arith.muli %add3A_18, %mul3A_50 : i32
        %add3A_52 = arith.constant 5120 : i32
        %add3A_53 = arith.addi %add3A_52, %mul3A_51 : i32
        %get3A_54 = arith.index_cast %add3A_53 : i32 to index
        %get3A_55 = tpu.vector_load %arg6[%get3A_54] {strides = array<i32>} : memref<16384xf32, #tpu.memory_space<vmem>>, vector<16xf32>,
        %add3A_56 = arith.addf %add3A_49, %get3A_55 : vector<16xf32>
        %mul3A_57 = arith.constant 16 : i32
        %mul3A_58 = arith.muli %add3A_18, %mul3A_57 : i32
        %add3A_59 = arith.constant 6144 : i32
        %add3A_60 = arith.addi %add3A_59, %mul3A_58 : i32
        %get3A_61 = arith.index_cast %add3A_60 : i32 to index
        %get3A_62 = tpu.vector_load %arg6[%get3A_61] {strides = array<i32>} : memref<16384xf32, #tpu.memory_space<vmem>>, vector<16xf32>,
        %add3A_63 = arith.addf %add3A_56, %get3A_62 : vector<16xf32>
        %mul3A_64 = arith.constant 16 : i32
        %mul3A_65 = arith.muli %add3A_18, %mul3A_64 : i32
        %add3A_66 = arith.constant 7168 : i32
        %add3A_67 = arith.addi %add3A_66, %mul3A_65 : i32
        %get3A_68 = arith.index_cast %add3A_67 : i32 to index
        %get3A_69 = tpu.vector_load %arg6[%get3A_68] {strides = array<i32>} : memref<16384xf32, #tpu.memory_space<vmem>>, vector<16xf32>,
        %add3A_70 = arith.addf %add3A_63, %get3A_69 : vector<16xf32>
        %mul3A_71 = arith.constant 16 : i32
        %mul3A_72 = arith.muli %add3A_18, %mul3A_71 : i32
        %add3A_73 = arith.constant 8192 : i32
        %add3A_74 = arith.addi %add3A_73, %mul3A_72 : i32
        %get3A_75 = arith.index_cast %add3A_74 : i32 to index
        %get3A_76 = tpu.vector_load %arg6[%get3A_75] {strides = array<i32>} : memref<16384xf32, #tpu.memory_space<vmem>>, vector<16xf32>,
        %add3A_77 = arith.addf %add3A_70, %get3A_76 : vector<16xf32>
        %mul3A_78 = arith.constant 16 : i32
        %mul3A_79 = arith.muli %add3A_18, %mul3A_78 : i32
        %add3A_80 = arith.constant 9216 : i32
        %add3A_81 = arith.addi %add3A_80, %mul3A_79 : i32
        %get3A_82 = arith.index_cast %add3A_81 : i32 to index
        %get3A_83 = tpu.vector_load %arg6[%get3A_82] {strides = array<i32>} : memref<16384xf32, #tpu.memory_space<vmem>>, vector<16xf32>,
        %add3A_84 = arith.addf %add3A_77, %get3A_83 : vector<16xf32>
        %mul3A_85 = arith.constant 16 : i32
        %mul3A_86 = arith.muli %add3A_18, %mul3A_85 : i32
        %add3A_87 = arith.constant 10240 : i32
        %add3A_88 = arith.addi %add3A_87, %mul3A_86 : i32
        %get3A_89 = arith.index_cast %add3A_88 : i32 to index
        %get3A_90 = tpu.vector_load %arg6[%get3A_89] {strides = array<i32>} : memref<16384xf32, #tpu.memory_space<vmem>>, vector<16xf32>,
        %add3A_91 = arith.addf %add3A_84, %get3A_90 : vector<16xf32>
        %mul3A_92 = arith.constant 16 : i32
        %mul3A_93 = arith.muli %add3A_18, %mul3A_92 : i32
        %add3A_94 = arith.constant 11264 : i32
        %add3A_95 = arith.addi %add3A_94, %mul3A_93 : i32
        %get3A_96 = arith.index_cast %add3A_95 : i32 to index
        %get3A_97 = tpu.vector_load %arg6[%get3A_96] {strides = array<i32>} : memref<16384xf32, #tpu.memory_space<vmem>>, vector<16xf32>,
        %add3A_98 = arith.addf %add3A_91, %get3A_97 : vector<16xf32>
        %mul3A_99 = arith.constant 16 : i32
        %mul3A_100 = arith.muli %add3A_18, %mul3A_99 : i32
        %add3A_101 = arith.constant 12288 : i32
        %add3A_102 = arith.addi %add3A_101, %mul3A_100 : i32
        %get3A_103 = arith.index_cast %add3A_102 : i32 to index
        %get3A_104 = tpu.vector_load %arg6[%get3A_103] {strides = array<i32>} : memref<16384xf32, #tpu.memory_space<vmem>>, vector<16xf32>,
        %add3A_105 = arith.addf %add3A_98, %get3A_104 : vector<16xf32>
        %mul3A_106 = arith.constant 16 : i32
        %mul3A_107 = arith.muli %add3A_18, %mul3A_106 : i32
        %add3A_108 = arith.constant 13312 : i32
        %add3A_109 = arith.addi %add3A_108, %mul3A_107 : i32
        %get3A_110 = arith.index_cast %add3A_109 : i32 to index
        %get3A_111 = tpu.vector_load %arg6[%get3A_110] {strides = array<i32>} : memref<16384xf32, #tpu.memory_space<vmem>>, vector<16xf32>,
        %add3A_112 = arith.addf %add3A_105, %get3A_111 : vector<16xf32>
        %mul3A_113 = arith.constant 16 : i32
        %mul3A_114 = arith.muli %add3A_18, %mul3A_113 : i32
        %add3A_115 = arith.constant 14336 : i32
        %add3A_116 = arith.addi %add3A_115, %mul3A_114 : i32
        %get3A_117 = arith.index_cast %add3A_116 : i32 to index
        %get3A_118 = tpu.vector_load %arg6[%get3A_117] {strides = array<i32>} : memref<16384xf32, #tpu.memory_space<vmem>>, vector<16xf32>,
        %add3A_119 = arith.addf %add3A_112, %get3A_118 : vector<16xf32>
        %mul3A_120 = arith.constant 16 : i32
        %mul3A_121 = arith.muli %add3A_18, %mul3A_120 : i32
        %add3A_122 = arith.constant 15360 : i32
        %add3A_123 = arith.addi %add3A_122, %mul3A_121 : i32
        %get3A_124 = arith.index_cast %add3A_123 : i32 to index
        %get3A_125 = tpu.vector_load %arg6[%get3A_124] {strides = array<i32>} : memref<16384xf32, #tpu.memory_space<vmem>>, vector<16xf32>,
        %add3A_126 = arith.addf %add3A_119, %get3A_125 : vector<16xf32>
        %mul3A_127 = arith.constant 16 : i32
        %mul3A_128 = arith.muli %add3A_18, %mul3A_127 : i32
        %swap3A = arith.index_cast %mul3A_128 : i32 to index
        %swap3A_129 = tpu.vector_load %arg9[%swap3A] {strides = array<i32>} : memref<1024xf32, #tpu.memory_space<vmem>>, vector<16xf32>,
        tpu.vector_store %arg9[%swap3A], %add3A_126 {strides = array<i32>} : memref<1024xf32, #tpu.memory_space<vmem>>, vector<16xf32>,
        %mul3A_130 = arith.constant 2 : i32
        %mul3A_131 = arith.muli %mul3A_130, %scan3A_14 : i32
        %add3A_132 = arith.constant 1 : i32
        %add3A_133 = arith.addi %mul3A_131, %add3A_132 : i32
        %mul3A_134 = arith.constant 16 : i32
        %mul3A_135 = arith.muli %add3A_133, %mul3A_134 : i32
        %get3A_136 = arith.index_cast %mul3A_135 : i32 to index
        %get3A_137 = tpu.vector_load %arg6[%get3A_136] {strides = array<i32>} : memref<16384xf32, #tpu.memory_space<vmem>>, vector<16xf32>,
        %mul3A_138 = arith.constant 16 : i32
        %mul3A_139 = arith.muli %add3A_133, %mul3A_138 : i32
        %add3A_140 = arith.constant 1024 : i32
        %add3A_141 = arith.addi %add3A_140, %mul3A_139 : i32
        %get3A_142 = arith.index_cast %add3A_141 : i32 to index
        %get3A_143 = tpu.vector_load %arg6[%get3A_142] {strides = array<i32>} : memref<16384xf32, #tpu.memory_space<vmem>>, vector<16xf32>,
        %add3A_144 = arith.addf %get3A_137, %get3A_143 : vector<16xf32>
        %mul3A_145 = arith.constant 16 : i32
        %mul3A_146 = arith.muli %add3A_133, %mul3A_145 : i32
        %add3A_147 = arith.constant 2048 : i32
        %add3A_148 = arith.addi %add3A_147, %mul3A_146 : i32
        %get3A_149 = arith.index_cast %add3A_148 : i32 to index
        %get3A_150 = tpu.vector_load %arg6[%get3A_149] {strides = array<i32>} : memref<16384xf32, #tpu.memory_space<vmem>>, vector<16xf32>,
        %add3A_151 = arith.addf %add3A_144, %get3A_150 : vector<16xf32>
        %mul3A_152 = arith.constant 16 : i32
        %mul3A_153 = arith.muli %add3A_133, %mul3A_152 : i32
        %add3A_154 = arith.constant 3072 : i32
        %add3A_155 = arith.addi %add3A_154, %mul3A_153 : i32
        %get3A_156 = arith.index_cast %add3A_155 : i32 to index
        %get3A_157 = tpu.vector_load %arg6[%get3A_156] {strides = array<i32>} : memref<16384xf32, #tpu.memory_space<vmem>>, vector<16xf32>,
        %add3A_158 = arith.addf %add3A_151, %get3A_157 : vector<16xf32>
        %mul3A_159 = arith.constant 16 : i32
        %mul3A_160 = arith.muli %add3A_133, %mul3A_159 : i32
        %add3A_161 = arith.constant 4096 : i32
        %add3A_162 = arith.addi %add3A_161, %mul3A_160 : i32
        %get3A_163 = arith.index_cast %add3A_162 : i32 to index
        %get3A_164 = tpu.vector_load %arg6[%get3A_163] {strides = array<i32>} : memref<16384xf32, #tpu.memory_space<vmem>>, vector<16xf32>,
        %add3A_165 = arith.addf %add3A_158, %get3A_164 : vector<16xf32>
        %mul3A_166 = arith.constant 16 : i32
        %mul3A_167 = arith.muli %add3A_133, %mul3A_166 : i32
        %add3A_168 = arith.constant 5120 : i32
        %add3A_169 = arith.addi %add3A_168, %mul3A_167 : i32
        %get3A_170 = arith.index_cast %add3A_169 : i32 to index
        %get3A_171 = tpu.vector_load %arg6[%get3A_170] {strides = array<i32>} : memref<16384xf32, #tpu.memory_space<vmem>>, vector<16xf32>,
        %add3A_172 = arith.addf %add3A_165, %get3A_171 : vector<16xf32>
        %mul3A_173 = arith.constant 16 : i32
        %mul3A_174 = arith.muli %add3A_133, %mul3A_173 : i32
        %add3A_175 = arith.constant 6144 : i32
        %add3A_176 = arith.addi %add3A_175, %mul3A_174 : i32
        %get3A_177 = arith.index_cast %add3A_176 : i32 to index
        %get3A_178 = tpu.vector_load %arg6[%get3A_177] {strides = array<i32>} : memref<16384xf32, #tpu.memory_space<vmem>>, vector<16xf32>,
        %add3A_179 = arith.addf %add3A_172, %get3A_178 : vector<16xf32>
        %mul3A_180 = arith.constant 16 : i32
        %mul3A_181 = arith.muli %add3A_133, %mul3A_180 : i32
        %add3A_182 = arith.constant 7168 : i32
        %add3A_183 = arith.addi %add3A_182, %mul3A_181 : i32
        %get3A_184 = arith.index_cast %add3A_183 : i32 to index
        %get3A_185 = tpu.vector_load %arg6[%get3A_184] {strides = array<i32>} : memref<16384xf32, #tpu.memory_space<vmem>>, vector<16xf32>,
        %add3A_186 = arith.addf %add3A_179, %get3A_185 : vector<16xf32>
        %mul3A_187 = arith.constant 16 : i32
        %mul3A_188 = arith.muli %add3A_133, %mul3A_187 : i32
        %add3A_189 = arith.constant 8192 : i32
        %add3A_190 = arith.addi %add3A_189, %mul3A_188 : i32
        %get3A_191 = arith.index_cast %add3A_190 : i32 to index
        %get3A_192 = tpu.vector_load %arg6[%get3A_191] {strides = array<i32>} : memref<16384xf32, #tpu.memory_space<vmem>>, vector<16xf32>,
        %add3A_193 = arith.addf %add3A_186, %get3A_192 : vector<16xf32>
        %mul3A_194 = arith.constant 16 : i32
        %mul3A_195 = arith.muli %add3A_133, %mul3A_194 : i32
        %add3A_196 = arith.constant 9216 : i32
        %add3A_197 = arith.addi %add3A_196, %mul3A_195 : i32
        %get3A_198 = arith.index_cast %add3A_197 : i32 to index
        %get3A_199 = tpu.vector_load %arg6[%get3A_198] {strides = array<i32>} : memref<16384xf32, #tpu.memory_space<vmem>>, vector<16xf32>,
        %add3A_200 = arith.addf %add3A_193, %get3A_199 : vector<16xf32>
        %mul3A_201 = arith.constant 16 : i32
        %mul3A_202 = arith.muli %add3A_133, %mul3A_201 : i32
        %add3A_203 = arith.constant 10240 : i32
        %add3A_204 = arith.addi %add3A_203, %mul3A_202 : i32
        %get3A_205 = arith.index_cast %add3A_204 : i32 to index
        %get3A_206 = tpu.vector_load %arg6[%get3A_205] {strides = array<i32>} : memref<16384xf32, #tpu.memory_space<vmem>>, vector<16xf32>,
        %add3A_207 = arith.addf %add3A_200, %get3A_206 : vector<16xf32>
        %mul3A_208 = arith.constant 16 : i32
        %mul3A_209 = arith.muli %add3A_133, %mul3A_208 : i32
        %add3A_210 = arith.constant 11264 : i32
        %add3A_211 = arith.addi %add3A_210, %mul3A_209 : i32
        %get3A_212 = arith.index_cast %add3A_211 : i32 to index
        %get3A_213 = tpu.vector_load %arg6[%get3A_212] {strides = array<i32>} : memref<16384xf32, #tpu.memory_space<vmem>>, vector<16xf32>,
        %add3A_214 = arith.addf %add3A_207, %get3A_213 : vector<16xf32>
        %mul3A_215 = arith.constant 16 : i32
        %mul3A_216 = arith.muli %add3A_133, %mul3A_215 : i32
        %add3A_217 = arith.constant 12288 : i32
        %add3A_218 = arith.addi %add3A_217, %mul3A_216 : i32
        %get3A_219 = arith.index_cast %add3A_218 : i32 to index
        %get3A_220 = tpu.vector_load %arg6[%get3A_219] {strides = array<i32>} : memref<16384xf32, #tpu.memory_space<vmem>>, vector<16xf32>,
        %add3A_221 = arith.addf %add3A_214, %get3A_220 : vector<16xf32>
        %mul3A_222 = arith.constant 16 : i32
        %mul3A_223 = arith.muli %add3A_133, %mul3A_222 : i32
        %add3A_224 = arith.constant 13312 : i32
        %add3A_225 = arith.addi %add3A_224, %mul3A_223 : i32
        %get3A_226 = arith.index_cast %add3A_225 : i32 to index
        %get3A_227 = tpu.vector_load %arg6[%get3A_226] {strides = array<i32>} : memref<16384xf32, #tpu.memory_space<vmem>>, vector<16xf32>,
        %add3A_228 = arith.addf %add3A_221, %get3A_227 : vector<16xf32>
        %mul3A_229 = arith.constant 16 : i32
        %mul3A_230 = arith.muli %add3A_133, %mul3A_229 : i32
        %add3A_231 = arith.constant 14336 : i32
        %add3A_232 = arith.addi %add3A_231, %mul3A_230 : i32
        %get3A_233 = arith.index_cast %add3A_232 : i32 to index
        %get3A_234 = tpu.vector_load %arg6[%get3A_233] {strides = array<i32>} : memref<16384xf32, #tpu.memory_space<vmem>>, vector<16xf32>,
        %add3A_235 = arith.addf %add3A_228, %get3A_234 : vector<16xf32>
        %mul3A_236 = arith.constant 16 : i32
        %mul3A_237 = arith.muli %add3A_133, %mul3A_236 : i32
        %add3A_238 = arith.constant 15360 : i32
        %add3A_239 = arith.addi %add3A_238, %mul3A_237 : i32
        %get3A_240 = arith.index_cast %add3A_239 : i32 to index
        %get3A_241 = tpu.vector_load %arg6[%get3A_240] {strides = array<i32>} : memref<16384xf32, #tpu.memory_space<vmem>>, vector<16xf32>,
        %add3A_242 = arith.addf %add3A_235, %get3A_241 : vector<16xf32>
        %mul3A_243 = arith.constant 16 : i32
        %mul3A_244 = arith.muli %add3A_133, %mul3A_243 : i32
        %swap3A_245 = arith.index_cast %mul3A_244 : i32 to index
        %swap3A_246 = tpu.vector_load %arg9[%swap3A_245] {strides = array<i32>} : memref<1024xf32, #tpu.memory_space<vmem>>, vector<16xf32>,
        tpu.vector_store %arg9[%swap3A_245], %add3A_242 {strides = array<i32>} : memref<1024xf32, #tpu.memory_space<vmem>>, vector<16xf32>,
      }
      %scan3A_13 = arith.constant 32 : i32
      "tpu.region"() ({
        %run_scoped3A = tpu.sem_alloc : memref<!tpu.dma_semaphore, #tpu.memory_space<semaphore_mem>>
        tpu.enqueue_dma source(%arg9 : memref<1024xf32, #tpu.memory_space<vmem>>) target(%arg5 : memref<1024xf32, #tpu.memory_space<hbm>>) target_semaphore(%run_scoped3A : memref<!tpu.dma_semaphore, #tpu.memory_space<semaphore_mem>>)
        tpu.wait_dma2 semaphore(%run_scoped3A : memref<!tpu.dma_semaphore, #tpu.memory_space<semaphore_mem>>) src(%arg9 : memref<1024xf32, #tpu.memory_space<vmem>>) dst(%arg5 : memref<1024xf32, #tpu.memory_space<hbm>>)
        tpu.yield
      }) : () -> ()
    } else {
    }
    return
  }
}

module attributes {stable_mosaic.version = 14 : i64} {
  func.func @_matvec_body(%arg0: i32, %arg1: memref<1024xf32, #tpu.memory_space<vmem>>, %arg2: memref<33x33x1024xf32, #tpu.memory_space<vmem>>, %arg3: memref<33x33x1024xf32, #tpu.memory_space<vmem>>, %arg4: memref<33x33x1024xf32, #tpu.memory_space<vmem>>, %arg5: memref<3x33x33xf32, #tpu.memory_space<vmem>>) attributes {dimension_semantics = [#tpu.dimension_semantics<arbitrary>], iteration_bounds = array<i64: 33>, scalar_prefetch = 0 : i64, scratch_operands = 0 : i64, tpu.core_type = #tpu.core_type<tc>, window_params = [{pipeline_mode = #tpu.pipeline_mode<synchronous>, transform_indices = @transform_0, window_bounds = array<i64: 1024>}, {transform_indices = @transform_1, window_bounds = array<i64: 33, 33, 1024>}, {transform_indices = @transform_2, window_bounds = array<i64: 33, 33, 1024>}, {transform_indices = @transform_3, window_bounds = array<i64: 33, 33, 1024>}, {transform_indices = @transform_4, window_bounds = array<i64: 3, 33, 33>}]} {
    %get3A = arith.constant 0 : index
    %get3A_0 = arith.constant 0 : index
    %get3A_1 = arith.constant 0 : index
    %get3A_2 = vector.load %arg2[%get3A, %get3A_0, %get3A_1] : memref<33x33x1024xf32, #tpu.memory_space<vmem>>, vector<33x33x1024xf32>
    %get3A_3 = arith.constant 0 : index
    %get3A_4 = vector.load %arg1[%get3A_3] : memref<1024xf32, #tpu.memory_space<vmem>>, vector<1024xf32>
    %broadcast_in_dim3A = vector.shape_cast %get3A_4 : vector<1024xf32> to vector<1x1x1024xf32>
    %mul3A = vector.broadcast %broadcast_in_dim3A : vector<1x1x1024xf32> to vector<33x33x1024xf32>
    %mul3A_5 = arith.mulf %get3A_2, %mul3A : vector<33x33x1024xf32>
    %reduce_sum3A = arith.constant dense<0.000000e+00> : vector<33x33xf32>
    %reduce_sum3A_6 = vector.multi_reduction <add>, %mul3A_5, %reduce_sum3A [2] : vector<33x33x1024xf32> to vector<33x33xf32>
    %swap3A = arith.constant 0 : index
    %swap3A_7 = arith.constant 0 : index
    %swap3A_8 = arith.constant 0 : index
    %swap3A_9 = vector.load %arg5[%swap3A, %swap3A_7, %swap3A_8] : memref<3x33x33xf32, #tpu.memory_space<vmem>>, vector<1x33x33xf32>
    %swap3A_10 = vector.shape_cast %swap3A_9 : vector<1x33x33xf32> to vector<33x33xf32>
    %swap3A_11 = vector.shape_cast %reduce_sum3A_6 : vector<33x33xf32> to vector<1x33x33xf32>
    tpu.vector_store %arg5[%swap3A, %swap3A_7, %swap3A_8], %swap3A_11 {strides = array<i32>} : memref<3x33x33xf32, #tpu.memory_space<vmem>>, vector<1x33x33xf32>,
    %get3A_12 = arith.constant 0 : index
    %get3A_13 = arith.constant 0 : index
    %get3A_14 = arith.constant 0 : index
    %get3A_15 = vector.load %arg3[%get3A_12, %get3A_13, %get3A_14] : memref<33x33x1024xf32, #tpu.memory_space<vmem>>, vector<33x33x1024xf32>
    %get3A_16 = arith.constant 0 : index
    %get3A_17 = vector.load %arg1[%get3A_16] : memref<1024xf32, #tpu.memory_space<vmem>>, vector<1024xf32>
    %broadcast_in_dim3A_18 = vector.shape_cast %get3A_17 : vector<1024xf32> to vector<1x1x1024xf32>
    %mul3A_19 = vector.broadcast %broadcast_in_dim3A_18 : vector<1x1x1024xf32> to vector<33x33x1024xf32>
    %mul3A_20 = arith.mulf %get3A_15, %mul3A_19 : vector<33x33x1024xf32>
    %reduce_sum3A_21 = arith.constant dense<0.000000e+00> : vector<33x33xf32>
    %reduce_sum3A_22 = vector.multi_reduction <add>, %mul3A_20, %reduce_sum3A_21 [2] : vector<33x33x1024xf32> to vector<33x33xf32>
    %swap3A_23 = arith.constant 1 : index
    %swap3A_24 = arith.constant 0 : index
    %swap3A_25 = arith.constant 0 : index
    %swap3A_26 = vector.load %arg5[%swap3A_23, %swap3A_24, %swap3A_25] : memref<3x33x33xf32, #tpu.memory_space<vmem>>, vector<1x33x33xf32>
    %swap3A_27 = vector.shape_cast %swap3A_26 : vector<1x33x33xf32> to vector<33x33xf32>
    %swap3A_28 = vector.shape_cast %reduce_sum3A_22 : vector<33x33xf32> to vector<1x33x33xf32>
    tpu.vector_store %arg5[%swap3A_23, %swap3A_24, %swap3A_25], %swap3A_28 {strides = array<i32>} : memref<3x33x33xf32, #tpu.memory_space<vmem>>, vector<1x33x33xf32>,
    %get3A_29 = arith.constant 0 : index
    %get3A_30 = arith.constant 0 : index
    %get3A_31 = arith.constant 0 : index
    %get3A_32 = vector.load %arg4[%get3A_29, %get3A_30, %get3A_31] : memref<33x33x1024xf32, #tpu.memory_space<vmem>>, vector<33x33x1024xf32>
    %get3A_33 = arith.constant 0 : index
    %get3A_34 = vector.load %arg1[%get3A_33] : memref<1024xf32, #tpu.memory_space<vmem>>, vector<1024xf32>
    %broadcast_in_dim3A_35 = vector.shape_cast %get3A_34 : vector<1024xf32> to vector<1x1x1024xf32>
    %mul3A_36 = vector.broadcast %broadcast_in_dim3A_35 : vector<1x1x1024xf32> to vector<33x33x1024xf32>
    %mul3A_37 = arith.mulf %get3A_32, %mul3A_36 : vector<33x33x1024xf32>
    %reduce_sum3A_38 = arith.constant dense<0.000000e+00> : vector<33x33xf32>
    %reduce_sum3A_39 = vector.multi_reduction <add>, %mul3A_37, %reduce_sum3A_38 [2] : vector<33x33x1024xf32> to vector<33x33xf32>
    %swap3A_40 = arith.constant 2 : index
    %swap3A_41 = arith.constant 0 : index
    %swap3A_42 = arith.constant 0 : index
    %swap3A_43 = vector.load %arg5[%swap3A_40, %swap3A_41, %swap3A_42] : memref<3x33x33xf32, #tpu.memory_space<vmem>>, vector<1x33x33xf32>
    %swap3A_44 = vector.shape_cast %swap3A_43 : vector<1x33x33xf32> to vector<33x33xf32>
    %swap3A_45 = vector.shape_cast %reduce_sum3A_39 : vector<33x33xf32> to vector<1x33x33xf32>
    tpu.vector_store %arg5[%swap3A_40, %swap3A_41, %swap3A_42], %swap3A_45 {strides = array<i32>} : memref<3x33x33xf32, #tpu.memory_space<vmem>>, vector<1x33x33xf32>,
    return
  }
  func.func @transform_0(%arg0: i32) -> i32 {
    %c0_i32 = arith.constant 0 : i32
    %c0_i32_0 = arith.constant 0 : i32
    return %c0_i32 : i32
  }
  func.func @transform_1(%arg0: i32) -> (i32, i32, i32) {
    %mul3A = arith.constant 3 : i32
    %mul3A_0 = arith.muli %mul3A, %arg0 : i32
    %c0_i32 = arith.constant 0 : i32
    %c0_i32_1 = arith.constant 0 : i32
    %c0_i32_2 = arith.constant 0 : i32
    return %mul3A_0, %c0_i32, %c0_i32_1 : i32, i32, i32
  }
  func.func @transform_2(%arg0: i32) -> (i32, i32, i32) {
    %mul3A = arith.constant 3 : i32
    %mul3A_0 = arith.muli %mul3A, %arg0 : i32
    %add3A = arith.constant 1 : i32
    %add3A_1 = arith.addi %mul3A_0, %add3A : i32
    %c0_i32 = arith.constant 0 : i32
    %c0_i32_2 = arith.constant 0 : i32
    %c0_i32_3 = arith.constant 0 : i32
    return %add3A_1, %c0_i32, %c0_i32_2 : i32, i32, i32
  }
  func.func @transform_3(%arg0: i32) -> (i32, i32, i32) {
    %mul3A = arith.constant 3 : i32
    %mul3A_0 = arith.muli %mul3A, %arg0 : i32
    %add3A = arith.constant 2 : i32
    %add3A_1 = arith.addi %mul3A_0, %add3A : i32
    %c0_i32 = arith.constant 0 : i32
    %c0_i32_2 = arith.constant 0 : i32
    %c0_i32_3 = arith.constant 0 : i32
    return %add3A_1, %c0_i32, %c0_i32_2 : i32, i32, i32
  }
  func.func @transform_4(%arg0: i32) -> (i32, i32, i32) {
    %c0_i32 = arith.constant 0 : i32
    %c0_i32_0 = arith.constant 0 : i32
    %c0_i32_1 = arith.constant 0 : i32
    return %arg0, %c0_i32, %c0_i32_0 : i32, i32, i32
  }
}

</mosaic_0001>

<sc_bundles>
// kernel: kernel.4.cloned.1.call-start
scs
__scs_entry_jumppad:
0x0: {  	(pc) =	sbr.rel $0x88, $3  }
0x1: {  	(tag) =	ssettag $0x0;
	lr =	simm.s32 $0x1  }
0x2: {  	[smem:$0x3F9E] =	sst lr;
	_ =	strace $0xD0000000  }
0x3: {  	_ = 	snop  }
0x4: {  	_ = 	snop  }
0x5: {  	_ = 	snop  }
0x6: {  	_ = 	snop  }
0x7: {  	_ = 	snop  }
__scs_overlays_trampoline_lowered:
0x8: {  	[smem:$0x3FAD] =	sst s0  }
0x9: {  	[smem:$0x3FAE] =	sst s1  }
0xa: {  	[smem:$0x3FAF] =	sst s2  }
0xb: {  	[smem:$0x3FB0] =	sst s3  }
0xc: {  	[smem:$0x3FB1] =	sst s4  }
0xd: {  	[smem:$0x3FB2] =	sst s5  }
0xe: {  	[smem:$0x3FB3] =	sst s6  }
0xf: {  	[smem:$0x3FB4] =	sst s7  }
0x10: {  	[smem:$0x3FB5] =	sst s8  }
0x11: {  	[smem:$0x3FB6] =	sst s9;
	s0 =	simm.s32 @!p0 $0x0  }
0x12: {  	s1 =	sld [smem:$0x3F9C];
	s0 =	simm.s32 @p0 $0x1  }
0x13: {  	[smem:$0x3FB7] =	sst s0;
	s0 =	simm.s32 @!p1 $0x0  }
0x14: {  	s2 =	sld [smem:$0x3F9B];
	s0 =	simm.s32 @p1 $0x1  }
0x15: {  	[smem:$0x3FB8] =	sst s0;
	s0 =	simm.s32 @!p2 $0x0  }
0x16: {  	s3 =	sld [smem:$0x3FDB];
	s0 =	simm.s32 @p2 $0x1  }
0x17: {  	s4 =	simm.s32 $0x1BF5;
	[smem:$0x3FBA] =	sst s0  }
0x18: {  	s0 =	sld [smem:$0x3F9D];
	_ =	swait.ge [sflag:s4], $0x0  }
0x19: {  	s7 =	sld [smem:$0x3F9E]  }
0x1a: {  	s8 =	sadd.s32 $0xFFFFE003, lr  }
0x1b: {  	s9 =	sadd.s32 $0xFFFFFEF7, lr;
	s5 =	simm.s32 $0xFFFFFFFF;
	p2 =	slt.u32 s8, $0xFFFFF086  }
0x1c: {  	p1 =	slt.u32 s9, $0xF7A;
	s5 =	simm.s32 @!p2 $0x0  }
0x1d: {  	s5 =	simm.s32 @p1 $0x1;
	p0 =	seq.s32 s7, s2  }
0x1e: {  	s7 =	smul.u32 @!p0 $0xF7A, s2;
	p2 =	seq.s32 @!p0 s5, $0x0  }
0x1f: {  	s9 =	smul.u32 $0xF7A, s1;
	s8 =	simm.s32 @!p0 $0x1BF5;
	p2 =	por !p2, p0  }
0x20: {  	[sflag:s8] =	ssyncset.s32 @!p0 $0xFFFFF086;
	s6 =	sadd.s32 @!p0 s3, s7;
	s7 =	simm.s32 @!p0 $0x108  }
0x21: {  	s3 =	sadd.s32 s3, s9;
	s6 =	sadd.s32 @!p0 $0x88, s6;
	s7 =	simm.s32 @p2 $0x1082  }
0x22: {  	[simem:s7], [sflag:s8] =	dma.local @!p0 [hbm:s6], $0xF7A  }
0x23: {  	s9 =	sor.u32 $0xD0000000, s2;
	s6 =	simm.s32 $0x108;
	_ =	swait.ge @!p0 [sflag:s8], $0x0  }
0x24: {  	s3 =	sadd.s32 $0x88, s3;
	s6 =	simm.s32 @!p1 $0x1082;
	[sflag:s4] =	ssyncset.s32 $0xFFFFF086  }
0x25: {  	[simem:s6], [sflag:s4] =	dma.local [hbm:s3], $0xF7A  }
0x26: {  	[smem:$0x3F9E] =	sst s1;
	(tag) =	ssettag s2;
	_ =	strace s9  }
0x27: {  	s1 =	sld [smem:$0x3FAE]  }
0x28: {  	s2 =	sld [smem:$0x3FAF]  }
0x29: {  	s4 =	sld [smem:$0x3FB1]  }
0x2a: {  	p0 =	seq.s32 s5, $0x0;
	s5 =	sld [smem:$0x3FB2]  }
0x2b: {  	s6 =	sld [smem:$0x3FB3]  }
0x2c: {  	s7 =	sld [smem:$0x3FB4]  }
0x2d: {  	s3 =	simm.s32 $0x108;
	s8 =	sld [smem:$0x3FB5]  }
0x2e: {  	s3 =	simm.s32 @!p0 $0x1082;
	s9 =	sld [smem:$0x3FB6]  }
0x2f: {  	lr =	sadd.s32 s0, s3;
	s0 =	sld [smem:$0x3FAD]  }
0x30: {  	s3 =	sld [smem:$0x3FB0]  }
0x31: {  	[smem:$0x3FB9] =	sst s10  }
0x32: {  	s10 =	sld [smem:$0x3FB7];
	_ =	sdelay $0x3  }
0x33: {  	p0 =	seq.s32 s10, $0x1;
	s10 =	sld [smem:$0x3FB9];
	_ =	sdelay $0x3  }
0x34: {  	[smem:$0x3FB9] =	sst s10  }
0x35: {  	s10 =	sld [smem:$0x3FB8];
	_ =	sdelay $0x3  }
0x36: {  	p1 =	seq.s32 s10, $0x1;
	s10 =	sld [smem:$0x3FB9];
	_ =	sdelay $0x3  }
0x37: {  	[smem:$0x3FB9] =	sst s10  }
0x38: {  	s10 =	sld [smem:$0x3FBA]  }
0x39: {  	_ = 	snop;
	(pc) =	sbr.ind lr, $3  }
0x3a: {  	_ = 	snop  }
0x3b: {  	_ = 	snop  }
0x3c: {  	p2 =	seq.s32 s10, $0x1;
	s10 =	sld [smem:$0x3FB9]  }
0x3d: {  	_ =	shalt  }
0x3e: {  	_ =	shalt  }
0x3f: {  	_ =	shalt  }
0x40: {  	_ =	shalt  }
0x41: {  	_ =	shalt  }
0x42: {  	_ =	shalt  }
0x43: {  	_ =	shalt  }
0x44: {  	_ =	shalt  }
0x45: {  	_ =	shalt  }
0x46: {  	_ =	shalt  }
0x47: {  	_ =	shalt  }
0x48: {  	_ =	shalt  }
0x49: {  	_ =	shalt  }
0x4a: {  	_ =	shalt  }
0x4b: {  	_ =	shalt  }
0x4c: {  	_ =	shalt  }
0x4d: {  	_ =	shalt  }
0x4e: {  	_ =	shalt  }
0x4f: {  	_ =	shalt  }
0x50: {  	_ =	shalt  }
0x51: {  	_ =	shalt  }
0x52: {  	_ =	shalt  }
0x53: {  	_ =	shalt  }
0x54: {  	_ =	shalt  }
0x55: {  	_ =	shalt  }
0x56: {  	_ =	shalt  }
0x57: {  	_ =	shalt  }
0x58: {  	_ =	shalt  }
0x59: {  	_ =	shalt  }
0x5a: {  	_ =	shalt  }
0x5b: {  	_ =	shalt  }
0x5c: {  	_ =	shalt  }
0x5d: {  	_ =	shalt  }
0x5e: {  	_ =	shalt  }
0x5f: {  	_ =	shalt  }
0x60: {  	_ =	shalt  }
0x61: {  	_ =	shalt  }
0x62: {  	_ =	shalt  }
0x63: {  	_ =	shalt  }
0x64: {  	_ =	shalt  }
0x65: {  	_ =	shalt  }
0x66: {  	_ =	shalt  }
0x67: {  	_ =	shalt  }
0x68: {  	_ =	shalt  }
0x69: {  	_ =	shalt  }
0x6a: {  	_ =	shalt  }
0x6b: {  	_ =	shalt  }
0x6c: {  	_ =	shalt  }
0x6d: {  	_ =	shalt  }
0x6e: {  	_ =	shalt  }
0x6f: {  	_ =	shalt  }
0x70: {  	_ =	shalt  }
0x71: {  	_ =	shalt  }
0x72: {  	_ =	shalt  }
0x73: {  	_ =	shalt  }
0x74: {  	_ =	shalt  }
0x75: {  	_ =	shalt  }
0x76: {  	_ =	shalt  }
0x77: {  	_ =	shalt  }
0x78: {  	_ =	shalt  }
0x79: {  	_ =	shalt  }
0x7a: {  	_ =	shalt  }
0x7b: {  	_ =	shalt  }
0x7c: {  	_ =	shalt  }
0x7d: {  	_ =	shalt  }
0x7e: {  	_ =	shalt  }
0x7f: {  	_ =	shalt  }
0x80: {  	_ =	shalt  }
0x81: {  	_ =	shalt  }
0x82: {  	_ =	shalt  }
0x83: {  	_ =	shalt  }
0x84: {  	_ =	shalt  }
0x85: {  	_ =	shalt  }
0x86: {  	_ =	shalt  }
0x87: {  	_ =	shalt  }
.Lfunc_end0:
.L_simem_size_0:
called_computation_lowered:
.L_overlay_start_0:
0x88: {  	s2 =	sld [smem:$0x3FD9]  }
0x89: {  	s3 =	sld [smem:$0x3FFE];
	_ =	sdelay $0x1  }
0x8a: {  	s1 =	srdreg.scid  }
0x8b: {  	s0 =	sand.u32 $0x1, s1  }
0x8c: {  	s17 =	sshll.u32 s0, $0xA;
	s2 =	sadd.s32 s3, s2  }
0x8d: {  	s2 =	sadd.s32 s2, s17  }
0x8e: {  	[smem:$0x3FC5] =	sst s2  }
0x8f: {  	_ = 	snop  }
0x90: {  	s2 =	sld [smem:$0x3FC9]  }
0x91: {  	s18 =	sld [smem:$0x3FC8]  }
0x92: {  	s4 =	sld [smem:$0x3FD0];
	(tm) =	ssettm $0x1  }
0x93: {  	s5 =	sld [smem:$0x3FFB];
	_ =	sdelay $0x3  }
0x94: {  	_ =	strace s5  }
0x95: {  	s5 =	sld [smem:$0x3FFC];
	_ =	sdelay $0x3  }
0x96: {  	_ =	strace s5  }
0x97: {  	s5 =	sld [smem:$0x3FFD];
	_ =	sdelay $0x3  }
0x98: {  	_ =	strace s5  }
0x99: {  	_ =	strace $0x8FFFFFFF  }
0x9a: {  	s19 =	sld [smem:$0x3FDB];
	_ =	sdelay $0x1  }
0x9b: {  	s6 =	simm.s32 $_scs_section_size  }
0x9c: {  	s7 =	simm.s32 $_size__tile_overlayer_lowered;
	s8 =	simm.s32 $_tile_overlayer_lowered  }
0x9d: {  	s22 =	simm.s32 $0x1BFF;
	s21 =	sshll.u32 s8, $0x1;
	s5 =	sadd.s32 s6, s19  }
0x9e: {  	s9 =	simm.s32 $0x0;
	s20 =	sshll.u32 s7, $0x1;
	s7 =	sadd.s32 s21, s5  }
0x9f: {  	[timem:s9], [sflag:s22] =	dma.local [hbm:s7], s20  }
0xa0: {  	_ =	swait.ge [sflag:s22], s20  }
0xa1: {  	s6 =	ssub.s32 $0x0, s20;
	[sflag:s22] =	ssyncset.done $0x0  }
0xa2: {  	[sflag:s22] =	ssyncadd.s32 s6;
	_ =	sdelay $0x1  }
0xa3: {  	s23 =	simm.s32 $0x1B8B  }
0xa4: {  	_ =	swait.ge [sflag:s23], $0x1  }
0xa5: {  	[sflag:s23] =	ssyncset.done $0x0  }
0xa6: {  	s25 =	simm.s32 $0x1B8E;
	s24 =	sld [smem:$0x3FFE];
	[sflag:s23] =	ssyncadd.s32 $0xFFFFFFFF  }
0xa7: {  	s26 =	simm.s32 $execute0_lowered;
	[smem:$0x3FD2] =	sst s25  }
0xa8: {  	s7 =	sshll.u32 s26, $0x1;
	_ =	strace $0x80000046;
	[dreg:$0x1] =	wrdreg $0xFFFFFFFF  }
0xa9: {  	s28 =	simm.s32 $_size_execute0_lowered;
	s5 =	sadd.s32 s5, s7;
	[dreg:$0x0] =	wrdreg $0x0  }
0xaa: {  	s7 =	sshll.u32 s28, $0x1;
	[dreg:$0x2] =	wrdreg s5  }
0xab: {  	[dreg:$0x3] =	wrdreg s7  }
0xac: {  	[dreg:$0x4] =	wrdreg $0xC0  }
0xad: {  	_ =	task [dreg:s9], $0x5FFFF  }
0xae: {  	[dreg:$0x1] =	wrdreg $0xFFFFFFFF  }
0xaf: {  	[dreg:$0x0] =	wrdreg $0x60  }
0xb0: {  	[dreg:$0x2] =	wrdreg s2  }
0xb1: {  	[dreg:$0x3] =	wrdreg s18  }
0xb2: {  	[dreg:$0x4] =	wrdreg s4  }
0xb3: {  	[dreg:$0x5] =	wrdreg s24  }
0xb4: {  	[dreg:$0x6] =	wrdreg $0x9  }
0xb5: {  	_ =	task.clear_ibuf [dreg:s9], $0x7FFFF;
	_ =	strace $0x90000046  }
0xb6: {  	s29 =	simm.s32 $0x9;
	_ =	strace $0x80000048  }
0xb7: {  	_ =	swait.ge [sflag:s29], $0x1  }
0xb8: {  	[sflag:s29] =	ssyncadd.s32 $0xFFFFFFFF  }
0xb9: {  	_ =	strace $0x90000048  }
0xba: {  	_ =	sfence  }
0xbb: {  	s30 =	sld [smem:$0x0];
	_ =	sdelay $0x2  }
0xbc: {  	s31 =	sshll.u32 s1, $0xD;
	s1 =	sshrl.u32 s1, $0x2  }
0xbd: {  	s3 =	sand.u32 $0x4000, s31;
	s1 =	sadd.s32 s1, s30  }
0xbe: {  	s0 =	sor.u32 s3, s0;
	s1 =	sshll.u32 s1, $0x11  }
0xbf: {  	s0 =	sor.u32 s1, s0  }
0xc0: {  	s0 =	sadd.s32 $0x8F2B, s0  }
0xc1: {  	[sflag:s0] =	ssyncadd.remote.s32 $0x1  }
0xc2: {  	_ =	sfence.sel $0xFFFF  }
0xc3: {  	[dreg:$0x0] =	wrdreg $0xFFFFFFFF;
	(pc) =	sbr.abs _section_cstart, $3  }
0xc4: {  	[dreg:$0x1] =	wrdreg $0xFFFFFFFF  }
0xc5: {  	_ =	task.clear_ibuf [dreg:s9], $0x2FFFF;
	_ =	strace $0x9FFFFFFF  }
0xc6: {  	(tm) =	ssettm $0x7FFFFFFF  }
0xc7: {  	_ =	shalt  }
tec
execute0_lowered:
.L_overlay_start_1:
0x0: {  	(tag) =	ssettag $0x1  }
0x1: {  	s1 =	srdreg.scid  }
0x2: {  	s6 =	sand.u32 $0x1, s1;
	s1 =	stileid.u32  }
0x3: {  	s7 =	sshll.u32 s1, $0x1;
	s8 =	ssub.s32 $0x0, s6  }
0x4: {  	p0 =	sne.s32 s7, s8  }
.Ltmp0:
0x5: {  	s0 =	rddreg [dreg:$0x0];
	(pc) =	sbr.rel @p0 .LBB2_7-.Ltmp0, $4  }
0x6: {  	s2 =	rddreg [dreg:$0x1]  }
0x7: {  	s4 =	rddreg [dreg:$0x2]  }
0x8: {  	s5 =	rddreg [dreg:$0x3]  }
0x9: {  	s3 =	rddreg [dreg:$0x4];
	_ =	strace $0x80000047  }
0xa: {  	s6 =	ssub.s32 $0x2, s6;
	s5 =	sadd.s32 $0x600, s5  }
0xb: {  	s8 =	simm.s32 $0x4000;
	s9 =	simm.s32 $0x4400;
	s10 =	simm.s32 $0x1  }
0xc: {  	s11 =	simm.s32 $0x2;
	s12 =	simm.s32 $0x3;
	s7 =	sshrl.u32 s6, $0x1  }
0xd: {  	v0 =	vlaneseq.u32;
	s13 =	simm.s32 $0x4800;
	s14 =	simm.s32 $0x4;
	s6 =	ssub.s32 s6, s7  }
0xe: {  	s15 =	simm.s32 $0x0;
	v0 =	vmul.u32 $0x400, v0;
	s7 =	simm.s32 $0x0;
	s6 =	smax.u32 s6, $0x1  }
.LBB2_2:
0xf: {  	[tilespmem:s7], [sflag:$0x1] =	stream.linear.gather [hbm4b:s4+s7], $0x4000, $0x38;
	[tilespmem:$0x4C00] =	vst v63  }
0x10: {  	_ = 	snop  }
0x11: {  	[tilespmem:s8], [sflag:$0x2] =	stream.linear.gather [hbm4b:s0+s7], $0x400, $0x38;
	[tilespmem:$0x4C00] =	vst v63  }
0x12: {  	_ = 	snop  }
0x13: {  	[tilespmem:s9], [sflag:$0x3] =	stream.linear.gather [hbm4b:s2+s7], $0x400, $0x38;
	[tilespmem:$0x4C00] =	vst v63  }
0x14: {  	_ =	swait.ge [sflag:s10], $0x4000  }
0x15: {  	[sflag:s10] =	ssyncset.done $0x0  }
0x16: {  	[sflag:s10] =	ssyncadd.s32 $0xFFFFC000  }
0x17: {  	_ =	swait.ge [sflag:s11], $0x400  }
0x18: {  	[sflag:s11] =	ssyncset.done $0x0  }
0x19: {  	[sflag:s11] =	ssyncadd.s32 $0xFFFFFC00  }
0x1a: {  	_ =	swait.ge [sflag:s12], $0x400  }
0x1b: {  	[sflag:s12] =	ssyncset.done $0x0  }
0x1c: {  	s16 =	simm.s32 $0x0;
	[sflag:s12] =	ssyncadd.s32 $0xFFFFFC00  }
.LBB2_3:
0x1d: {  	s18 =	sshra.s32 s16, $0x2  }
0x1e: {  	v1 =	vld [tilespmem:s18+$0x4000];
	_ =	sdelay $0x4  }
0x1f: {  	v2 =	vld [tilespmem:s18+$0x4400];
	v1 =	vadd.s32 v0, v1;
	_ =	sdelay $0x3  }
0x20: {  	s17 =	simm.s32 $0x0  }
0x21: {  	[tilespmem:v1+s17+$0x0] =	vst.idx.add.f32.msk $0xffff, v2  }
0x22: {  	v1 =	vld [tilespmem:s18+$0x4010];
	_ =	sdelay $0x4  }
0x23: {  	p0 =	sne.s32 s16, $0xF80;
	v2 =	vld [tilespmem:s18+$0x4410];
	v1 =	vadd.s32 v0, v1  }
.Ltmp1:
0x24: {  	_ = 	snop;
	(pc) =	sbr.rel @p0 .LBB2_3-.Ltmp1, $2  }
0x25: {  	_ =	sdelay $0x2  }
0x26: {  	s16 =	sadd.s32 $0x80, s16;
	[tilespmem:v1+s17+$0x0] =	vst.idx.add.f32.msk $0xffff, v2  }
0x27: {  	s16 =	simm.s32 $0x2010  }
0x28: {  	s17 =	sand.u32 $0x3E0, s17;
	v1 =	vld [tilespmem:s16+$0xFFFFDFF0]  }
0x29: {  	v2 =	vld [tilespmem:s17+$0x400];
	_ =	sdelay $0x1  }
0x2a: {  	v3 =	vld [tilespmem:s17+$0x800];
	_ =	sdelay $0x1  }
0x2b: {  	v4 =	vld [tilespmem:s17+$0xC00]  }
0x2c: {  	v1 =	vadd.f32 v2, v1  }
0x2d: {  	v2 =	vld [tilespmem:s17+$0x1000]  }
0x2e: {  	v1 =	vadd.f32 v3, v1  }
0x2f: {  	v3 =	vld [tilespmem:s17+$0x1400]  }
0x30: {  	v1 =	vadd.f32 v4, v1  }
0x31: {  	v55 =	vld [tilespmem:s17+$0x1800]  }
0x32: {  	v1 =	vadd.f32 v2, v1  }
0x33: {  	v2 =	vld [tilespmem:s17+$0x1C00]  }
0x34: {  	v1 =	vadd.f32 v3, v1  }
0x35: {  	v3 =	vld [tilespmem:s17+$0x2000]  }
0x36: {  	v1 =	vadd.f32 v55, v1  }
0x37: {  	v56 =	vld [tilespmem:s17+$0x2400]  }
0x38: {  	v1 =	vadd.f32 v2, v1  }
0x39: {  	v2 =	vld [tilespmem:s17+$0x2800]  }
0x3a: {  	v1 =	vadd.f32 v3, v1  }
0x3b: {  	v3 =	vld [tilespmem:s17+$0x2C00]  }
0x3c: {  	v1 =	vadd.f32 v56, v1  }
0x3d: {  	v57 =	vld [tilespmem:s17+$0x3000]  }
0x3e: {  	v1 =	vadd.f32 v2, v1  }
0x3f: {  	v2 =	vld [tilespmem:s17+$0x3400]  }
0x40: {  	v1 =	vadd.f32 v3, v1  }
0x41: {  	v3 =	vld [tilespmem:s17+$0x3800]  }
0x42: {  	v1 =	vadd.f32 v57, v1  }
0x43: {  	v58 =	vld [tilespmem:s17+$0x3C00]  }
0x44: {  	v1 =	vadd.f32 v2, v1;
	_ =	sdelay $0x1  }
0x45: {  	v1 =	vadd.f32 v3, v1;
	_ =	sdelay $0x1  }
0x46: {  	v1 =	vadd.f32 v58, v1  }
0x47: {  	s17 =	simm.s32 $0x4810  }
0x48: {  	[tilespmem:s17+$0xFFFFFFF0] =	vst v1  }
0x49: {  	v1 =	vld [tilespmem:s16+$0xFFFFE000]  }
0x4a: {  	v2 =	vld [tilespmem:s16+$0xFFFFE400];
	_ =	sdelay $0x1  }
0x4b: {  	v3 =	vld [tilespmem:s16+$0xFFFFE800];
	_ =	sdelay $0x1  }
0x4c: {  	v59 =	vld [tilespmem:s16+$0xFFFFEC00]  }
0x4d: {  	v1 =	vadd.f32 v2, v1  }
0x4e: {  	v2 =	vld [tilespmem:s16+$0xFFFFF000]  }
0x4f: {  	v1 =	vadd.f32 v3, v1  }
0x50: {  	v3 =	vld [tilespmem:s16+$0xFFFFF400]  }
0x51: {  	v1 =	vadd.f32 v59, v1  }
0x52: {  	v60 =	vld [tilespmem:s16+$0xFFFFF800]  }
0x53: {  	v1 =	vadd.f32 v2, v1  }
0x54: {  	v2 =	vld [tilespmem:s16+$0xFFFFFC00]  }
0x55: {  	v1 =	vadd.f32 v3, v1  }
0x56: {  	v3 =	vld [tilespmem:s16+$0x0]  }
0x57: {  	v1 =	vadd.f32 v60, v1  }
0x58: {  	v61 =	vld [tilespmem:s16+$0x400]  }
0x59: {  	v1 =	vadd.f32 v2, v1  }
0x5a: {  	v2 =	vld [tilespmem:s16+$0x800]  }
0x5b: {  	v1 =	vadd.f32 v3, v1  }
0x5c: {  	v3 =	vld [tilespmem:s16+$0xC00]  }
0x5d: {  	v1 =	vadd.f32 v61, v1  }
0x5e: {  	v62 =	vld [tilespmem:s16+$0x1000]  }
0x5f: {  	v1 =	vadd.f32 v2, v1  }
0x60: {  	v2 =	vld [tilespmem:s16+$0x1400]  }
0x61: {  	v1 =	vadd.f32 v3, v1  }
0x62: {  	v3 =	vld [tilespmem:s16+$0x1800]  }
0x63: {  	v1 =	vadd.f32 v62, v1  }
0x64: {  	v63 =	vld [tilespmem:s16+$0x1C00]  }
0x65: {  	v1 =	vadd.f32 v2, v1;
	_ =	sdelay $0x1  }
0x66: {  	v1 =	vadd.f32 v3, v1;
	_ =	sdelay $0x1  }
0x67: {  	s18 =	simm.s32 $0x20;
	s19 =	simm.s32 $0x4810;
	v1 =	vadd.f32 v63, v1  }
.LBB2_5:
0x68: {  	p0 =	sne.s32 s18, $0x3E0;
	s16 =	sadd.s32 $0x20, s16;
	s17 =	sadd.s32 $0x20, s17  }
0x69: {  	s20 =	smov.u32 s18;
	s18 =	sadd.s32 $0x20, s18;
	[tilespmem:s19+$0x0] =	vst v1;
	s19 =	smov.u32 s17  }
0x6a: {  	s20 =	sand.u32 $0x3E0, s20;
	v1 =	vld [tilespmem:s16+$0xFFFFDFF0]  }
0x6b: {  	v2 =	vld [tilespmem:s20+$0x400];
	_ =	sdelay $0x1  }
0x6c: {  	v3 =	vld [tilespmem:s20+$0x800];
	_ =	sdelay $0x1  }
0x6d: {  	v4 =	vld [tilespmem:s20+$0xC00]  }
0x6e: {  	v1 =	vadd.f32 v2, v1  }
0x6f: {  	v2 =	vld [tilespmem:s20+$0x1000]  }
0x70: {  	v1 =	vadd.f32 v3, v1  }
0x71: {  	v3 =	vld [tilespmem:s20+$0x1400]  }
0x72: {  	v1 =	vadd.f32 v4, v1  }
0x73: {  	v4 =	vld [tilespmem:s20+$0x1800]  }
0x74: {  	v1 =	vadd.f32 v2, v1  }
0x75: {  	v2 =	vld [tilespmem:s20+$0x1C00]  }
0x76: {  	v1 =	vadd.f32 v3, v1  }
0x77: {  	v3 =	vld [tilespmem:s20+$0x2000]  }
0x78: {  	v1 =	vadd.f32 v4, v1  }
0x79: {  	v4 =	vld [tilespmem:s20+$0x2400]  }
0x7a: {  	v1 =	vadd.f32 v2, v1  }
0x7b: {  	v2 =	vld [tilespmem:s20+$0x2800]  }
0x7c: {  	v1 =	vadd.f32 v3, v1  }
0x7d: {  	v3 =	vld [tilespmem:s20+$0x2C00]  }
0x7e: {  	v1 =	vadd.f32 v4, v1  }
0x7f: {  	v4 =	vld [tilespmem:s20+$0x3000]  }
0x80: {  	v1 =	vadd.f32 v2, v1  }
0x81: {  	v2 =	vld [tilespmem:s20+$0x3400]  }
0x82: {  	v1 =	vadd.f32 v3, v1  }
0x83: {  	v3 =	vld [tilespmem:s20+$0x3800]  }
0x84: {  	v1 =	vadd.f32 v4, v1  }
0x85: {  	v4 =	vld [tilespmem:s20+$0x3C00]  }
0x86: {  	v1 =	vadd.f32 v2, v1;
	_ =	sdelay $0x1  }
0x87: {  	v1 =	vadd.f32 v3, v1;
	_ =	sdelay $0x1  }
0x88: {  	v1 =	vadd.f32 v4, v1;
	_ =	sdelay $0x1  }
0x89: {  	[tilespmem:s17+$0xFFFFFFF0] =	vst v1  }
0x8a: {  	v1 =	vld [tilespmem:s16+$0xFFFFE000]  }
0x8b: {  	v2 =	vld [tilespmem:s16+$0xFFFFE400]  }
0x8c: {  	v3 =	vld [tilespmem:s16+$0xFFFFE800];
	_ =	sdelay $0x1  }
0x8d: {  	v4 =	vld [tilespmem:s16+$0xFFFFEC00];
	_ =	sdelay $0x1  }
0x8e: {  	v1 =	vadd.f32 v2, v1;
	v2 =	vld [tilespmem:s16+$0xFFFFF000];
	_ =	sdelay $0x1  }
0x8f: {  	v1 =	vadd.f32 v3, v1;
	v3 =	vld [tilespmem:s16+$0xFFFFF400];
	_ =	sdelay $0x1  }
0x90: {  	v1 =	vadd.f32 v4, v1;
	v4 =	vld [tilespmem:s16+$0xFFFFF800];
	_ =	sdelay $0x1  }
0x91: {  	v1 =	vadd.f32 v2, v1;
	v2 =	vld [tilespmem:s16+$0xFFFFFC00];
	_ =	sdelay $0x1  }
0x92: {  	v1 =	vadd.f32 v3, v1;
	v3 =	vld [tilespmem:s16+$0x0];
	_ =	sdelay $0x1  }
0x93: {  	v1 =	vadd.f32 v4, v1;
	v4 =	vld [tilespmem:s16+$0x400];
	_ =	sdelay $0x1  }
0x94: {  	v1 =	vadd.f32 v2, v1;
	v2 =	vld [tilespmem:s16+$0x800];
	_ =	sdelay $0x1  }
0x95: {  	v1 =	vadd.f32 v3, v1;
	v3 =	vld [tilespmem:s16+$0xC00];
	_ =	sdelay $0x1  }
0x96: {  	v1 =	vadd.f32 v4, v1;
	v4 =	vld [tilespmem:s16+$0x1000];
	_ =	sdelay $0x1  }
0x97: {  	v1 =	vadd.f32 v2, v1;
	v2 =	vld [tilespmem:s16+$0x1400];
	_ =	sdelay $0x1  }
0x98: {  	v1 =	vadd.f32 v3, v1;
	v3 =	vld [tilespmem:s16+$0x1800];
	_ =	sdelay $0x1  }
0x99: {  	v1 =	vadd.f32 v4, v1;
	v4 =	vld [tilespmem:s16+$0x1C00];
	_ =	sdelay $0x1  }
.Ltmp2:
0x9a: {  	v1 =	vadd.f32 v2, v1;
	(pc) =	sbr.rel @p0 .LBB2_5-.Ltmp2, $3  }
0x9b: {  	_ = 	snop  }
0x9c: {  	v1 =	vadd.f32 v3, v1;
	_ =	sdelay $0x1  }
0x9d: {  	v1 =	vadd.f32 v4, v1  }
0x9e: {  	s15 =	sadd.s32 $0x1, s15  }
0x9f: {  	p0 =	sne.s32 s15, s6  }
.Ltmp3:
0xa0: {  	[tilespmem:s19+$0x0] =	vst v1;
	(pc) =	sbr.rel @p0 .LBB2_2-.Ltmp3, $4  }
0xa1: {  	[hbm4b:s5+s7] =	stream.linear.scatter [tilespmem:s13], [sflag:$0x4], $0x400, $0x38;
	[tilespmem:$0x4C00] =	vst v63  }
0xa2: {  	_ =	swait.ge [sflag:s14], $0x400  }
0xa3: {  	[sflag:s14] =	ssyncset.done $0x0  }
0xa4: {  	[sflag:s14] =	ssyncadd.s32 $0xFFFFFC00  }
.LBB2_7:
0xa5: {  	_ =	sfence.sel $0x180000  }
0xa6: {  	[bflag:$0x0] =	sbarrier.arrive $0xFFFF  }
0xa7: {  	p0 =	sne.s32 s1, $0x0;
	_ =	strace $0x90000047  }
0xa8: {  	s0 =	sadd.s32 @!p0 $0x100000, s3;
	[bflag:$0x2] =	sbarrier.arrive $0xFFFF  }
0xa9: {  	[sflag:s0] =	ssyncadd.tile.s32 @!p0 $0x1;
	_ =	shalt  }
.Lfunc_end2:
_tile_overlayer_lowered:
.L_overlay_start_2:
0xaa: {  	(tag) =	ssettag $0x2  }
0xab: {  	s0 =	rddreg [dreg:$0x0];
	s2 =	stileid.u32  }
0xac: {  	s1 =	rddreg [dreg:$0x1];
	p0 =	sne.s32 s2, $0x0  }
0xad: {  	s3 =	rddreg [dreg:$0x2];
	[bflag:$0x3] =	sbarrier.arrive $0xFFFF;
	s2 =	simm.s32 @!p0 $0x1C04  }
0xae: {  	[timem:s3], [sflag:s2] =	dma.local @!p0 [hbm:s0], s1  }
0xaf: {  	s0 =	simm.s32 @!p0 $0x4  }
0xb0: {  	_ =	swait.ge @!p0 [sflag:s0], s1  }
0xb1: {  	s1 =	ssub.s32 @!p0 $0x0, s1;
	[sflag:s0] =	ssyncset.done @!p0 $0x0  }
0xb2: {  	[sflag:s0] =	ssyncadd.s32 @!p0 s1  }
0xb3: {  	[bflag:$0x3] =	sbarrier.arrive $0xFFFF  }
0xb4: {  	_ =	shalt  }

</sc_bundles>
